<compile_context>
chip_gen: v7x
topology: tpu7x:2x2x1
jax: 0.10.2.dev20260603
libtpu: 0.0.44.dev20260713+nightly
codegen_flags: <defaults>
</compile_context>

<pallas_src>
import functools

import jax
import jax.numpy as jnp
from jax import lax
from jax.experimental import pallas as pl
from jax.experimental.pallas import tpu as pltpu
from jax.experimental.pallas import tpu_sc as plsc

_NSHELF = 64
_SPATIAL = 128
_SLOPE = 0.01

_NTOK = 65536
_F = 256
_H = 512
_T = 1024
_NW = 32
_SEG = _NTOK // _NW
_CSUB = 128
_CAP = _NW * _CSUB
_SENT = _NTOK
_NPAD = _NTOK + _T


def _leaky(v):
    return jnp.where(v >= 0, v, _SLOPE * v)



_vmesh = plsc.VectorSubcoreMesh(core_axis_name="c", subcore_axis_name="s")


@functools.partial(
    pl.kernel,
    out_type=(
        jax.ShapeDtypeStruct((_CAP,), jnp.int32),
        jax.ShapeDtypeStruct((_CAP, _F), jnp.float32),
    ),
    mesh=_vmesh,
    compiler_params=pltpu.CompilerParams(needs_layout_passes=False),
    scratch_types=[
        pltpu.VMEM((_SEG,), jnp.int32),
        pltpu.VMEM((_SEG + 16,), jnp.int32),
        pltpu.VMEM((_CSUB,), jnp.int32),
        pltpu.VMEM((_CSUB, _F), jnp.float32),
        pltpu.SemaphoreType.DMA,
    ],
)
def _sc_compact_gather(st_hbm, x_hbm, idx_hbm, vacx_hbm,
                       st_v, idxs_v, idxg_v, rows_v, sem):
    nc = 2
    wid = lax.axis_index("s") * nc + lax.axis_index("c")
    base = wid * _SEG
    pltpu.sync_copy(st_hbm.at[pl.ds(base, _SEG)], st_v)
    out_base = wid * _CSUB
    for k in range(_CSUB // 16):
        idxg_v[pl.ds(k * 16, 16)] = jnp.full((16,), _SENT, jnp.int32)
    pltpu.sync_copy(idxg_v, idx_hbm.at[pl.ds(out_base, _CSUB)])


@functools.partial(
    pl.kernel,
    out_type=(),
    mesh=_vmesh,
    scratch_types=[
        pltpu.VMEM((_CSUB,), jnp.int32),
        pltpu.VMEM((_CSUB, _H), jnp.float32),
        pltpu.SemaphoreType.DMA,
    ],
)
def _sc_scatter(idx_hbm, vout_hbm, out_hbm, idx_v, rows_v, sem):
    nc = 2
    wid = lax.axis_index("s") * nc + lax.axis_index("c")
    base = wid * _CSUB
    pltpu.sync_copy(idx_hbm.at[pl.ds(base, _CSUB)], idx_v)



def _vac_body(x_ref, w1_ref, b1_ref, w2_ref, b2_ref, out_ref):
    xv = x_ref[:, :_SPATIAL]
    h = _leaky(jnp.dot(xv, w1_ref[...], preferred_element_type=jnp.float32)
               + b1_ref[...])
    out_ref[...] = _leaky(
        jnp.dot(h, w2_ref[...], preferred_element_type=jnp.float32)
        + b2_ref[...])


def _shelf_body(x_ref, w1_ref, b1_ref, w2_ref, b2_ref, out_ref):
    h = _leaky(jnp.dot(x_ref[...], w1_ref[...],
                       preferred_element_type=jnp.float32) + b1_ref[...])
    out_ref[...] = _leaky(
        jnp.dot(h, w2_ref[...], preferred_element_type=jnp.float32)
        + b2_ref[...])


def _full(shape):
    return pl.BlockSpec(shape, lambda i: (0, 0))


def _vac_mlp(vacx, w1, b1, w2, b2):
    return pl.pallas_call(
        _vac_body,
        grid=(_CAP // _T,),
        in_specs=[
            pl.BlockSpec((_T, _F), lambda i: (i, 0)),
            _full(w1.shape), _full(b1.shape),
            _full(w2.shape), _full(b2.shape),
        ],
        out_specs=pl.BlockSpec((_T, _H), lambda i: (i, 0)),
        out_shape=jax.ShapeDtypeStruct((_CAP, _H), jnp.float32),
    )(vacx, w1, b1, w2, b2)


def _shelf_mlp(xf, w1, b1, w2, b2):
    return pl.pallas_call(
        _shelf_body,
        grid=(_NTOK // _T,),
        in_specs=[
            pl.BlockSpec((_T, _F), lambda i: (i, 0)),
            _full(w1.shape), _full(b1.shape),
            _full(w2.shape), _full(b2.shape),
        ],
        out_specs=pl.BlockSpec((_T, _H), lambda i: (i, 0)),
        out_shape=jax.ShapeDtypeStruct((_NPAD, _H), jnp.float32),
    )(xf, w1, b1, w2, b2)


def kernel(state, x, vw1, vb1, vw2, vb2, sw1, sb1, sw2, sb2):
    B, Nv, F = x.shape
    st = state.reshape(B * Nv).astype(jnp.int32)
    xf = x.reshape(B * Nv, F)
    idx, vacx = _sc_compact_gather(st, xf)
    vout = _vac_mlp(vacx, vw1, vb1.reshape(1, -1), vw2, vb2.reshape(1, -1))
    dense = _shelf_mlp(xf, sw1, sb1.reshape(1, -1), sw2, sb2.reshape(1, -1))
    out_ref = jax.new_ref(dense)
    _sc_scatter(idx, vout, out_ref)
    out = jax.freeze(out_ref)
    return out[:B * Nv].reshape(B, Nv, _H)

# --- scband reference (transcript-rebuilt; emitter-appended) ---
"""Pipeline reference for scband-vacancy-mlp-2233382994342 (READ-ONLY COPY).

The authoritative reference and input builder live on the scoring server;
editing this copy changes nothing except your own understanding.
"""

import jax, jax.numpy as jnp
import numpy as np

N_SHELVES = 64
SPATIAL = 128


def _mlp(h, w1, b1, w2, b2):
    h = jax.nn.leaky_relu(h @ w1 + b1)
    h = jax.nn.leaky_relu(h @ w2 + b2)
    return h


def _lin(k, fan_in, fan_out):
    bound = 1.0 / np.sqrt(fan_in)
    kw, kb = jax.random.split(k)
    w = jax.random.uniform(kw, (fan_in, fan_out), minval=-bound, maxval=bound, dtype=jnp.float32)
    b = jax.random.uniform(kb, (fan_out,), minval=-bound, maxval=bound, dtype=jnp.float32)
    return w, b


def setup_inputs(seed: int = 0) -> dict:
    key = jax.random.key(seed)
    ks = jax.random.split(key, 6)
    state = jax.random.randint(ks[0], (64, 1024, 1), 0, 65, dtype=jnp.int64 if jax.config.jax_enable_x64 else jnp.int32)
    x = jax.random.normal(ks[1], (64, 1024, 256), dtype=jnp.float32)
    vw1, vb1 = _lin(ks[2], SPATIAL, 512)
    vw2, vb2 = _lin(ks[3], 512, 512)
    sw1, sb1 = _lin(ks[4], 256, 512)
    sw2, sb2 = _lin(ks[5], 512, 512)
    return {"state": state, "x": x, "vw1": vw1, "vb1": vb1, "vw2": vw2, "vb2": vb2, "sw1": sw1, "sb1": sb1, "sw2": sw2, "sb2": sb2}


def reference(state, x, vw1, vb1, vw2, vb2, sw1, sb1, sw2, sb2):
    # state: [B, Nv, 1] int; x: [B, Nv, spatial+input]
    st = jnp.squeeze(state, -1)
    mask = (st == N_SHELVES)  # vacancy positions
    # vacancy branch: only first spatial_dim channels of x
    v_out = _mlp(x[..., :SPATIAL], vw1, vb1, vw2, vb2)
    # shelf branch: full feature vector
    s_out = _mlp(x, sw1, sb1, sw2, sb2)
    # scatter-overwrite semantics: every (b, n) slot is written by exactly
    # one branch, so a masked select reproduces the torch output exactly.
    out = jnp.where(mask[..., None], v_out, s_out).astype(jnp.float32)
    return out

if __name__ == "__main__":
    import jax
    _d = setup_inputs()
    print(jax.jit(kernel)(*tuple(_d.values())))

</pallas_src>

<mosaic_0001>
#map = affine_map<(d0, d1) -> (0)>
#map1 = affine_map<(d0, d1) -> (0, 0)>
module attributes {stable_mosaic.version = 14 : i64} {
  func.func @new_body(%arg0: i32, %arg1: i32, %arg2: memref<4096xi32, #tpu.memory_space<hbm>>, %arg3: memref<4096x512xf32, #tpu.memory_space<hbm>>, %arg4: memref<66560x512xf32, #tpu.memory_space<hbm>>, %arg5: memref<66560x512xf32, #tpu.memory_space<hbm>>, %arg6: memref<128xi32, #tpu.memory_space<vmem>>, %arg7: memref<128x512xf32, #tpu.memory_space<vmem>>, %arg8: memref<!tpu.dma_semaphore, #tpu.memory_space<semaphore_mem>>) attributes {dimension_semantics = [#tpu.dimension_semantics<core_parallel>, #tpu.dimension_semantics<subcore_parallel>], iteration_bounds = array<i64: 2, 16>, scalar_prefetch = 0 : i64, scratch_operands = 3 : i64, tpu.core_type = #tpu.core_type<sc_vector_subcore>, window_params = [{transform_indices = #map}, {transform_indices = #map1}, {transform_indices = #map1}, {transform_indices = #map1}]} {
    %mul3A = arith.constant 2 : i32
    %mul3A_0 = arith.muli %arg1, %mul3A : i32
    %add3A = arith.addi %mul3A_0, %arg0 : i32
    %mul3A_1 = arith.constant 128 : i32
    %mul3A_2 = arith.muli %add3A, %mul3A_1 : i32
    "tpu.region"() ({
      %run_scoped3A = tpu.sem_alloc : memref<!tpu.dma_semaphore, #tpu.memory_space<semaphore_mem>>
      %dma_start3A = tpu.memref_slice %arg2[%mul3A_2] : memref<4096xi32, #tpu.memory_space<hbm>> -> memref<128xi32, #tpu.memory_space<hbm>>
      %dma_start3A_3 = tpu.memref_slice %arg2[%mul3A_2] : memref<4096xi32, #tpu.memory_space<hbm>> -> memref<128xi32, #tpu.memory_space<hbm>>
      tpu.enqueue_dma source(%dma_start3A_3 : memref<128xi32, #tpu.memory_space<hbm>>) target(%arg6 : memref<128xi32, #tpu.memory_space<vmem>>) target_semaphore(%run_scoped3A : memref<!tpu.dma_semaphore, #tpu.memory_space<semaphore_mem>>)
      %dma_wait3A = tpu.memref_slice %arg2[%mul3A_2] : memref<4096xi32, #tpu.memory_space<hbm>> -> memref<128xi32, #tpu.memory_space<hbm>>
      %dma_wait3A_4 = tpu.memref_slice %arg2[%mul3A_2] : memref<4096xi32, #tpu.memory_space<hbm>> -> memref<128xi32, #tpu.memory_space<hbm>>
      tpu.wait_dma2 semaphore(%run_scoped3A : memref<!tpu.dma_semaphore, #tpu.memory_space<semaphore_mem>>) src(%dma_wait3A_4 : memref<128xi32, #tpu.memory_space<hbm>>) dst(%arg6 : memref<128xi32, #tpu.memory_space<vmem>>)
      tpu.yield
    }) : () -> ()
    return
  }
}

#map = affine_map<(d0, d1) -> (0)>
#map1 = affine_map<(d0, d1) -> (0, 0)>
module attributes {stable_mosaic.version = 14 : i64} {
  func.func @_sc_compact_gather(%arg0: i32, %arg1: i32, %arg2: memref<65536xi32, #tpu.memory_space<hbm>>, %arg3: memref<65536x256xf32, #tpu.memory_space<hbm>>, %arg4: memref<4096xi32, #tpu.memory_space<hbm>>, %arg5: memref<4096x256xf32, #tpu.memory_space<hbm>>, %arg6: memref<2048xi32, #tpu.memory_space<vmem>>, %arg7: memref<2064xi32, #tpu.memory_space<vmem>>, %arg8: memref<128xi32, #tpu.memory_space<vmem>>, %arg9: memref<128x256xf32, #tpu.memory_space<vmem>>, %arg10: memref<!tpu.dma_semaphore, #tpu.memory_space<semaphore_mem>>) attributes {dimension_semantics = [#tpu.dimension_semantics<core_parallel>, #tpu.dimension_semantics<subcore_parallel>], iteration_bounds = array<i64: 2, 16>, scalar_prefetch = 0 : i64, scratch_operands = 5 : i64, tpu.core_type = #tpu.core_type<sc_vector_subcore>, window_params = [{transform_indices = #map}, {transform_indices = #map1}, {transform_indices = #map}, {transform_indices = #map1}]} {
    %mul3A = arith.constant 2 : i32
    %mul3A_0 = arith.muli %arg1, %mul3A : i32
    %add3A = arith.addi %mul3A_0, %arg0 : i32
    %mul3A_1 = arith.constant 2048 : i32
    %mul3A_2 = arith.muli %add3A, %mul3A_1 : i32
    "tpu.region"() ({
      %run_scoped3A = tpu.sem_alloc : memref<!tpu.dma_semaphore, #tpu.memory_space<semaphore_mem>>
      %dma_start3A = tpu.memref_slice %arg2[%mul3A_2] : memref<65536xi32, #tpu.memory_space<hbm>> -> memref<2048xi32, #tpu.memory_space<hbm>>
      %dma_start3A_35 = tpu.memref_slice %arg2[%mul3A_2] : memref<65536xi32, #tpu.memory_space<hbm>> -> memref<2048xi32, #tpu.memory_space<hbm>>
      tpu.enqueue_dma source(%dma_start3A_35 : memref<2048xi32, #tpu.memory_space<hbm>>) target(%arg6 : memref<2048xi32, #tpu.memory_space<vmem>>) target_semaphore(%run_scoped3A : memref<!tpu.dma_semaphore, #tpu.memory_space<semaphore_mem>>)
      %dma_wait3A = tpu.memref_slice %arg2[%mul3A_2] : memref<65536xi32, #tpu.memory_space<hbm>> -> memref<2048xi32, #tpu.memory_space<hbm>>
      %dma_wait3A_36 = tpu.memref_slice %arg2[%mul3A_2] : memref<65536xi32, #tpu.memory_space<hbm>> -> memref<2048xi32, #tpu.memory_space<hbm>>
      tpu.wait_dma2 semaphore(%run_scoped3A : memref<!tpu.dma_semaphore, #tpu.memory_space<semaphore_mem>>) src(%dma_wait3A_36 : memref<2048xi32, #tpu.memory_space<hbm>>) dst(%arg6 : memref<2048xi32, #tpu.memory_space<vmem>>)
      tpu.yield
    }) : () -> ()
    %mul3A_3 = arith.constant 128 : i32
    %mul3A_4 = arith.muli %add3A, %mul3A_3 : i32
    %broadcast_in_dim3A = arith.constant 65536 : i32
    %broadcast_in_dim3A_5 = vector.broadcast %broadcast_in_dim3A : i32 to vector<16xi32>
    %swap3A = arith.constant 0 : index
    %swap3A_6 = tpu.vector_load %arg8[%swap3A] {strides = array<i32>} : memref<128xi32, #tpu.memory_space<vmem>>, vector<16xi32>,
    tpu.vector_store %arg8[%swap3A], %broadcast_in_dim3A_5 {strides = array<i32>} : memref<128xi32, #tpu.memory_space<vmem>>, vector<16xi32>,
    %broadcast_in_dim3A_7 = arith.constant 65536 : i32
    %broadcast_in_dim3A_8 = vector.broadcast %broadcast_in_dim3A_7 : i32 to vector<16xi32>
    %swap3A_9 = arith.constant 16 : index
    %swap3A_10 = tpu.vector_load %arg8[%swap3A_9] {strides = array<i32>} : memref<128xi32, #tpu.memory_space<vmem>>, vector<16xi32>,
    tpu.vector_store %arg8[%swap3A_9], %broadcast_in_dim3A_8 {strides = array<i32>} : memref<128xi32, #tpu.memory_space<vmem>>, vector<16xi32>,
    %broadcast_in_dim3A_11 = arith.constant 65536 : i32
    %broadcast_in_dim3A_12 = vector.broadcast %broadcast_in_dim3A_11 : i32 to vector<16xi32>
    %swap3A_13 = arith.constant 32 : index
    %swap3A_14 = tpu.vector_load %arg8[%swap3A_13] {strides = array<i32>} : memref<128xi32, #tpu.memory_space<vmem>>, vector<16xi32>,
    tpu.vector_store %arg8[%swap3A_13], %broadcast_in_dim3A_12 {strides = array<i32>} : memref<128xi32, #tpu.memory_space<vmem>>, vector<16xi32>,
    %broadcast_in_dim3A_15 = arith.constant 65536 : i32
    %broadcast_in_dim3A_16 = vector.broadcast %broadcast_in_dim3A_15 : i32 to vector<16xi32>
    %swap3A_17 = arith.constant 48 : index
    %swap3A_18 = tpu.vector_load %arg8[%swap3A_17] {strides = array<i32>} : memref<128xi32, #tpu.memory_space<vmem>>, vector<16xi32>,
    tpu.vector_store %arg8[%swap3A_17], %broadcast_in_dim3A_16 {strides = array<i32>} : memref<128xi32, #tpu.memory_space<vmem>>, vector<16xi32>,
    %broadcast_in_dim3A_19 = arith.constant 65536 : i32
    %broadcast_in_dim3A_20 = vector.broadcast %broadcast_in_dim3A_19 : i32 to vector<16xi32>
    %swap3A_21 = arith.constant 64 : index
    %swap3A_22 = tpu.vector_load %arg8[%swap3A_21] {strides = array<i32>} : memref<128xi32, #tpu.memory_space<vmem>>, vector<16xi32>,
    tpu.vector_store %arg8[%swap3A_21], %broadcast_in_dim3A_20 {strides = array<i32>} : memref<128xi32, #tpu.memory_space<vmem>>, vector<16xi32>,
    %broadcast_in_dim3A_23 = arith.constant 65536 : i32
    %broadcast_in_dim3A_24 = vector.broadcast %broadcast_in_dim3A_23 : i32 to vector<16xi32>
    %swap3A_25 = arith.constant 80 : index
    %swap3A_26 = tpu.vector_load %arg8[%swap3A_25] {strides = array<i32>} : memref<128xi32, #tpu.memory_space<vmem>>, vector<16xi32>,
    tpu.vector_store %arg8[%swap3A_25], %broadcast_in_dim3A_24 {strides = array<i32>} : memref<128xi32, #tpu.memory_space<vmem>>, vector<16xi32>,
    %broadcast_in_dim3A_27 = arith.constant 65536 : i32
    %broadcast_in_dim3A_28 = vector.broadcast %broadcast_in_dim3A_27 : i32 to vector<16xi32>
    %swap3A_29 = arith.constant 96 : index
    %swap3A_30 = tpu.vector_load %arg8[%swap3A_29] {strides = array<i32>} : memref<128xi32, #tpu.memory_space<vmem>>, vector<16xi32>,
    tpu.vector_store %arg8[%swap3A_29], %broadcast_in_dim3A_28 {strides = array<i32>} : memref<128xi32, #tpu.memory_space<vmem>>, vector<16xi32>,
    %broadcast_in_dim3A_31 = arith.constant 65536 : i32
    %broadcast_in_dim3A_32 = vector.broadcast %broadcast_in_dim3A_31 : i32 to vector<16xi32>
    %swap3A_33 = arith.constant 112 : index
    %swap3A_34 = tpu.vector_load %arg8[%swap3A_33] {strides = array<i32>} : memref<128xi32, #tpu.memory_space<vmem>>, vector<16xi32>,
    tpu.vector_store %arg8[%swap3A_33], %broadcast_in_dim3A_32 {strides = array<i32>} : memref<128xi32, #tpu.memory_space<vmem>>, vector<16xi32>,
    "tpu.region"() ({
      %run_scoped3A = tpu.sem_alloc : memref<!tpu.dma_semaphore, #tpu.memory_space<semaphore_mem>>
      %dma_start3A = tpu.memref_slice %arg4[%mul3A_4] : memref<4096xi32, #tpu.memory_space<hbm>> -> memref<128xi32, #tpu.memory_space<hbm>>
      %dma_start3A_35 = tpu.memref_slice %arg4[%mul3A_4] : memref<4096xi32, #tpu.memory_space<hbm>> -> memref<128xi32, #tpu.memory_space<hbm>>
      tpu.enqueue_dma source(%arg8 : memref<128xi32, #tpu.memory_space<vmem>>) target(%dma_start3A_35 : memref<128xi32, #tpu.memory_space<hbm>>) target_semaphore(%run_scoped3A : memref<!tpu.dma_semaphore, #tpu.memory_space<semaphore_mem>>)
      %dma_wait3A = tpu.memref_slice %arg4[%mul3A_4] : memref<4096xi32, #tpu.memory_space<hbm>> -> memref<128xi32, #tpu.memory_space<hbm>>
      %dma_wait3A_36 = tpu.memref_slice %arg4[%mul3A_4] : memref<4096xi32, #tpu.memory_space<hbm>> -> memref<128xi32, #tpu.memory_space<hbm>>
      tpu.wait_dma2 semaphore(%run_scoped3A : memref<!tpu.dma_semaphore, #tpu.memory_space<semaphore_mem>>) src(%arg8 : memref<128xi32, #tpu.memory_space<vmem>>) dst(%dma_wait3A_36 : memref<128xi32, #tpu.memory_space<hbm>>)
      tpu.yield
    }) : () -> ()
    return
  }
}

module attributes {stable_mosaic.version = 14 : i64} {
  func.func @_vac_body(%arg0: i32, %arg1: memref<1024x256xf32, #tpu.memory_space<vmem>>, %arg2: memref<128x512xf32, #tpu.memory_space<vmem>>, %arg3: memref<1x512xf32, #tpu.memory_space<vmem>>, %arg4: memref<512x512xf32, #tpu.memory_space<vmem>>, %arg5: memref<1x512xf32, #tpu.memory_space<vmem>>, %arg6: memref<1024x512xf32, #tpu.memory_space<vmem>>) attributes {dimension_semantics = [#tpu.dimension_semantics<arbitrary>], iteration_bounds = array<i64: 4>, scalar_prefetch = 0 : i64, scratch_operands = 0 : i64, tpu.core_type = #tpu.core_type<tc>, window_params = [{transform_indices = @transform_0, window_bounds = array<i64: 1024, 256>}, {pipeline_mode = #tpu.pipeline_mode<synchronous>, transform_indices = @transform_1, window_bounds = array<i64: 128, 512>}, {pipeline_mode = #tpu.pipeline_mode<synchronous>, transform_indices = @transform_2, window_bounds = array<i64: 1, 512>}, {pipeline_mode = #tpu.pipeline_mode<synchronous>, transform_indices = @transform_3, window_bounds = array<i64: 512, 512>}, {pipeline_mode = #tpu.pipeline_mode<synchronous>, transform_indices = @transform_4, window_bounds = array<i64: 1, 512>}, {transform_indices = @transform_5, window_bounds = array<i64: 1024, 512>}]} {
    %get3A = arith.constant 0 : index
    %get3A_0 = arith.constant 0 : index
    %get3A_1 = vector.load %arg1[%get3A, %get3A_0] : memref<1024x256xf32, #tpu.memory_space<vmem>>, vector<1024x128xf32>
    %get3A_2 = arith.constant 0 : index
    %get3A_3 = arith.constant 0 : index
    %get3A_4 = vector.load %arg2[%get3A_2, %get3A_3] : memref<128x512xf32, #tpu.memory_space<vmem>>, vector<128x512xf32>
    %dot_general3A = arith.constant dense<0.000000e+00> : vector<1024x512xf32>
    %dot_general3A_5 = tpu.matmul %get3A_1, %get3A_4, %dot_general3A {dimension_numbers = #tpu.dot_dimension_numbers<[1], [0], [0], [1], [0, 0, 1, 1], [], []>, transpose_lhs_hint = false} : vector<1024x128xf32>, vector<128x512xf32>, vector<1024x512xf32> -> vector<1024x512xf32>
    %get3A_6 = arith.constant 0 : index
    %get3A_7 = arith.constant 0 : index
    %get3A_8 = vector.load %arg3[%get3A_6, %get3A_7] : memref<1x512xf32, #tpu.memory_space<vmem>>, vector<1x512xf32>
    %add3A = vector.broadcast %get3A_8 : vector<1x512xf32> to vector<1024x512xf32>
    %add3A_9 = arith.addf %dot_general3A_5, %add3A : vector<1024x512xf32>
    %ge3A = arith.constant 0.000000e+00 : f32
    %ge3A_10 = vector.broadcast %ge3A : f32 to vector<1024x512xf32>
    %ge3A_11 = arith.cmpf oge, %add3A_9, %ge3A_10 : vector<1024x512xf32>
    %mul3A = arith.constant 0.00999999977 : f32
    %mul3A_12 = vector.broadcast %mul3A : f32 to vector<1024x512xf32>
    %mul3A_13 = arith.mulf %mul3A_12, %add3A_9 : vector<1024x512xf32>
    %select_n3A = arith.select %ge3A_11, %add3A_9, %mul3A_13 : vector<1024x512xi1>, vector<1024x512xf32>
    %get3A_14 = arith.constant 0 : index
    %get3A_15 = arith.constant 0 : index
    %get3A_16 = vector.load %arg4[%get3A_14, %get3A_15] : memref<512x512xf32, #tpu.memory_space<vmem>>, vector<512x512xf32>
    %dot_general3A_17 = arith.constant dense<0.000000e+00> : vector<1024x512xf32>
    %dot_general3A_18 = tpu.matmul %select_n3A, %get3A_16, %dot_general3A_17 {dimension_numbers = #tpu.dot_dimension_numbers<[1], [0], [0], [1], [0, 0, 1, 1], [], []>, transpose_lhs_hint = false} : vector<1024x512xf32>, vector<512x512xf32>, vector<1024x512xf32> -> vector<1024x512xf32>
    %get3A_19 = arith.constant 0 : index
    %get3A_20 = arith.constant 0 : index
    %get3A_21 = vector.load %arg5[%get3A_19, %get3A_20] : memref<1x512xf32, #tpu.memory_space<vmem>>, vector<1x512xf32>
    %add3A_22 = vector.broadcast %get3A_21 : vector<1x512xf32> to vector<1024x512xf32>
    %add3A_23 = arith.addf %dot_general3A_18, %add3A_22 : vector<1024x512xf32>
    %ge3A_24 = arith.constant 0.000000e+00 : f32
    %ge3A_25 = vector.broadcast %ge3A_24 : f32 to vector<1024x512xf32>
    %ge3A_26 = arith.cmpf oge, %add3A_23, %ge3A_25 : vector<1024x512xf32>
    %mul3A_27 = arith.constant 0.00999999977 : f32
    %mul3A_28 = vector.broadcast %mul3A_27 : f32 to vector<1024x512xf32>
    %mul3A_29 = arith.mulf %mul3A_28, %add3A_23 : vector<1024x512xf32>
    %select_n3A_30 = arith.select %ge3A_26, %add3A_23, %mul3A_29 : vector<1024x512xi1>, vector<1024x512xf32>
    %swap3A = arith.constant 0 : index
    %swap3A_31 = arith.constant 0 : index
    %swap3A_32 = vector.load %arg6[%swap3A, %swap3A_31] : memref<1024x512xf32, #tpu.memory_space<vmem>>, vector<1024x512xf32>
    tpu.vector_store %arg6[%swap3A, %swap3A_31], %select_n3A_30 {strides = array<i32>} : memref<1024x512xf32, #tpu.memory_space<vmem>>, vector<1024x512xf32>,
    return
  }
  func.func @transform_0(%arg0: i32) -> (i32, i32) {
    %c0_i32 = arith.constant 0 : i32
    %c0_i32_0 = arith.constant 0 : i32
    return %arg0, %c0_i32 : i32, i32
  }
  func.func @transform_1(%arg0: i32) -> (i32, i32) {
    %c0_i32 = arith.constant 0 : i32
    %c0_i32_0 = arith.constant 0 : i32
    %c0_i32_1 = arith.constant 0 : i32
    return %c0_i32, %c0_i32_0 : i32, i32
  }
  func.func @transform_2(%arg0: i32) -> (i32, i32) {
    %c0_i32 = arith.constant 0 : i32
    %c0_i32_0 = arith.constant 0 : i32
    %c0_i32_1 = arith.constant 0 : i32
    return %c0_i32, %c0_i32_0 : i32, i32
  }
  func.func @transform_3(%arg0: i32) -> (i32, i32) {
    %c0_i32 = arith.constant 0 : i32
    %c0_i32_0 = arith.constant 0 : i32
    %c0_i32_1 = arith.constant 0 : i32
    return %c0_i32, %c0_i32_0 : i32, i32
  }
  func.func @transform_4(%arg0: i32) -> (i32, i32) {
    %c0_i32 = arith.constant 0 : i32
    %c0_i32_0 = arith.constant 0 : i32
    %c0_i32_1 = arith.constant 0 : i32
    return %c0_i32, %c0_i32_0 : i32, i32
  }
  func.func @transform_5(%arg0: i32) -> (i32, i32) {
    %c0_i32 = arith.constant 0 : i32
    %c0_i32_0 = arith.constant 0 : i32
    return %arg0, %c0_i32 : i32, i32
  }
}

module attributes {stable_mosaic.version = 14 : i64} {
  func.func @_shelf_body(%arg0: i32, %arg1: memref<1024x256xf32, #tpu.memory_space<vmem>>, %arg2: memref<256x512xf32, #tpu.memory_space<vmem>>, %arg3: memref<1x512xf32, #tpu.memory_space<vmem>>, %arg4: memref<512x512xf32, #tpu.memory_space<vmem>>, %arg5: memref<1x512xf32, #tpu.memory_space<vmem>>, %arg6: memref<1024x512xf32, #tpu.memory_space<vmem>>) attributes {dimension_semantics = [#tpu.dimension_semantics<arbitrary>], iteration_bounds = array<i64: 64>, scalar_prefetch = 0 : i64, scratch_operands = 0 : i64, tpu.core_type = #tpu.core_type<tc>, window_params = [{transform_indices = @transform_0, window_bounds = array<i64: 1024, 256>}, {pipeline_mode = #tpu.pipeline_mode<synchronous>, transform_indices = @transform_1, window_bounds = array<i64: 256, 512>}, {pipeline_mode = #tpu.pipeline_mode<synchronous>, transform_indices = @transform_2, window_bounds = array<i64: 1, 512>}, {pipeline_mode = #tpu.pipeline_mode<synchronous>, transform_indices = @transform_3, window_bounds = array<i64: 512, 512>}, {pipeline_mode = #tpu.pipeline_mode<synchronous>, transform_indices = @transform_4, window_bounds = array<i64: 1, 512>}, {transform_indices = @transform_5, window_bounds = array<i64: 1024, 512>}]} {
    %get3A = arith.constant 0 : index
    %get3A_0 = arith.constant 0 : index
    %get3A_1 = vector.load %arg1[%get3A, %get3A_0] : memref<1024x256xf32, #tpu.memory_space<vmem>>, vector<1024x256xf32>
    %get3A_2 = arith.constant 0 : index
    %get3A_3 = arith.constant 0 : index
    %get3A_4 = vector.load %arg2[%get3A_2, %get3A_3] : memref<256x512xf32, #tpu.memory_space<vmem>>, vector<256x512xf32>
    %dot_general3A = arith.constant dense<0.000000e+00> : vector<1024x512xf32>
    %dot_general3A_5 = tpu.matmul %get3A_1, %get3A_4, %dot_general3A {dimension_numbers = #tpu.dot_dimension_numbers<[1], [0], [0], [1], [0, 0, 1, 1], [], []>, transpose_lhs_hint = false} : vector<1024x256xf32>, vector<256x512xf32>, vector<1024x512xf32> -> vector<1024x512xf32>
    %get3A_6 = arith.constant 0 : index
    %get3A_7 = arith.constant 0 : index
    %get3A_8 = vector.load %arg3[%get3A_6, %get3A_7] : memref<1x512xf32, #tpu.memory_space<vmem>>, vector<1x512xf32>
    %add3A = vector.broadcast %get3A_8 : vector<1x512xf32> to vector<1024x512xf32>
    %add3A_9 = arith.addf %dot_general3A_5, %add3A : vector<1024x512xf32>
    %ge3A = arith.constant 0.000000e+00 : f32
    %ge3A_10 = vector.broadcast %ge3A : f32 to vector<1024x512xf32>
    %ge3A_11 = arith.cmpf oge, %add3A_9, %ge3A_10 : vector<1024x512xf32>
    %mul3A = arith.constant 0.00999999977 : f32
    %mul3A_12 = vector.broadcast %mul3A : f32 to vector<1024x512xf32>
    %mul3A_13 = arith.mulf %mul3A_12, %add3A_9 : vector<1024x512xf32>
    %select_n3A = arith.select %ge3A_11, %add3A_9, %mul3A_13 : vector<1024x512xi1>, vector<1024x512xf32>
    %get3A_14 = arith.constant 0 : index
    %get3A_15 = arith.constant 0 : index
    %get3A_16 = vector.load %arg4[%get3A_14, %get3A_15] : memref<512x512xf32, #tpu.memory_space<vmem>>, vector<512x512xf32>
    %dot_general3A_17 = arith.constant dense<0.000000e+00> : vector<1024x512xf32>
    %dot_general3A_18 = tpu.matmul %select_n3A, %get3A_16, %dot_general3A_17 {dimension_numbers = #tpu.dot_dimension_numbers<[1], [0], [0], [1], [0, 0, 1, 1], [], []>, transpose_lhs_hint = false} : vector<1024x512xf32>, vector<512x512xf32>, vector<1024x512xf32> -> vector<1024x512xf32>
    %get3A_19 = arith.constant 0 : index
    %get3A_20 = arith.constant 0 : index
    %get3A_21 = vector.load %arg5[%get3A_19, %get3A_20] : memref<1x512xf32, #tpu.memory_space<vmem>>, vector<1x512xf32>
    %add3A_22 = vector.broadcast %get3A_21 : vector<1x512xf32> to vector<1024x512xf32>
    %add3A_23 = arith.addf %dot_general3A_18, %add3A_22 : vector<1024x512xf32>
    %ge3A_24 = arith.constant 0.000000e+00 : f32
    %ge3A_25 = vector.broadcast %ge3A_24 : f32 to vector<1024x512xf32>
    %ge3A_26 = arith.cmpf oge, %add3A_23, %ge3A_25 : vector<1024x512xf32>
    %mul3A_27 = arith.constant 0.00999999977 : f32
    %mul3A_28 = vector.broadcast %mul3A_27 : f32 to vector<1024x512xf32>
    %mul3A_29 = arith.mulf %mul3A_28, %add3A_23 : vector<1024x512xf32>
    %select_n3A_30 = arith.select %ge3A_26, %add3A_23, %mul3A_29 : vector<1024x512xi1>, vector<1024x512xf32>
    %swap3A = arith.constant 0 : index
    %swap3A_31 = arith.constant 0 : index
    %swap3A_32 = vector.load %arg6[%swap3A, %swap3A_31] : memref<1024x512xf32, #tpu.memory_space<vmem>>, vector<1024x512xf32>
    tpu.vector_store %arg6[%swap3A, %swap3A_31], %select_n3A_30 {strides = array<i32>} : memref<1024x512xf32, #tpu.memory_space<vmem>>, vector<1024x512xf32>,
    return
  }
  func.func @transform_0(%arg0: i32) -> (i32, i32) {
    %c0_i32 = arith.constant 0 : i32
    %c0_i32_0 = arith.constant 0 : i32
    return %arg0, %c0_i32 : i32, i32
  }
  func.func @transform_1(%arg0: i32) -> (i32, i32) {
    %c0_i32 = arith.constant 0 : i32
    %c0_i32_0 = arith.constant 0 : i32
    %c0_i32_1 = arith.constant 0 : i32
    return %c0_i32, %c0_i32_0 : i32, i32
  }
  func.func @transform_2(%arg0: i32) -> (i32, i32) {
    %c0_i32 = arith.constant 0 : i32
    %c0_i32_0 = arith.constant 0 : i32
    %c0_i32_1 = arith.constant 0 : i32
    return %c0_i32, %c0_i32_0 : i32, i32
  }
  func.func @transform_3(%arg0: i32) -> (i32, i32) {
    %c0_i32 = arith.constant 0 : i32
    %c0_i32_0 = arith.constant 0 : i32
    %c0_i32_1 = arith.constant 0 : i32
    return %c0_i32, %c0_i32_0 : i32, i32
  }
  func.func @transform_4(%arg0: i32) -> (i32, i32) {
    %c0_i32 = arith.constant 0 : i32
    %c0_i32_0 = arith.constant 0 : i32
    %c0_i32_1 = arith.constant 0 : i32
    return %c0_i32, %c0_i32_0 : i32, i32
  }
  func.func @transform_5(%arg0: i32) -> (i32, i32) {
    %c0_i32 = arith.constant 0 : i32
    %c0_i32_0 = arith.constant 0 : i32
    return %arg0, %c0_i32 : i32, i32
  }
}

</mosaic_0001>

<sc_bundles>
// kernel: kernel.6.cloned.1.call-start
scs
__scs_entry_jumppad:
0x0: {  	(pc) =	sbr.rel $0x88, $3  }
0x1: {  	(tag) =	ssettag $0x0;
	lr =	simm.s32 $0x1  }
0x2: {  	[smem:$0x3F97] =	sst lr;
	_ =	strace $0xD0000000  }
0x3: {  	_ = 	snop  }
0x4: {  	_ = 	snop  }
0x5: {  	_ = 	snop  }
0x6: {  	_ = 	snop  }
0x7: {  	_ = 	snop  }
__scs_overlays_trampoline_lowered:
0x8: {  	[smem:$0x3FA6] =	sst s0  }
0x9: {  	[smem:$0x3FA7] =	sst s1  }
0xa: {  	[smem:$0x3FA8] =	sst s2  }
0xb: {  	[smem:$0x3FA9] =	sst s3  }
0xc: {  	[smem:$0x3FAA] =	sst s4  }
0xd: {  	[smem:$0x3FAB] =	sst s5  }
0xe: {  	[smem:$0x3FAC] =	sst s6  }
0xf: {  	[smem:$0x3FAD] =	sst s7  }
0x10: {  	[smem:$0x3FAE] =	sst s8  }
0x11: {  	[smem:$0x3FAF] =	sst s9;
	s0 =	simm.s32 @!p0 $0x0  }
0x12: {  	s1 =	sld [smem:$0x3F95];
	s0 =	simm.s32 @p0 $0x1  }
0x13: {  	[smem:$0x3FB0] =	sst s0;
	s0 =	simm.s32 @!p1 $0x0  }
0x14: {  	s2 =	sld [smem:$0x3F94];
	s0 =	simm.s32 @p1 $0x1  }
0x15: {  	[smem:$0x3FB1] =	sst s0;
	s0 =	simm.s32 @!p2 $0x0  }
0x16: {  	s3 =	sld [smem:$0x3FDB];
	s0 =	simm.s32 @p2 $0x1  }
0x17: {  	s4 =	simm.s32 $0x1BF5;
	[smem:$0x3FB3] =	sst s0  }
0x18: {  	s0 =	sld [smem:$0x3F96];
	_ =	swait.ge [sflag:s4], $0x0  }
0x19: {  	s7 =	sld [smem:$0x3F97]  }
0x1a: {  	s8 =	sadd.s32 $0xFFFFE003, lr  }
0x1b: {  	s9 =	sadd.s32 $0xFFFFFEF7, lr;
	s5 =	simm.s32 $0xFFFFFFFF;
	p2 =	slt.u32 s8, $0xFFFFF086  }
0x1c: {  	p1 =	slt.u32 s9, $0xF7A;
	s5 =	simm.s32 @!p2 $0x0  }
0x1d: {  	s5 =	simm.s32 @p1 $0x1;
	p0 =	seq.s32 s7, s2  }
0x1e: {  	s7 =	smul.u32 @!p0 $0xF7A, s2;
	p2 =	seq.s32 @!p0 s5, $0x0  }
0x1f: {  	s9 =	smul.u32 $0xF7A, s1;
	s8 =	simm.s32 @!p0 $0x1BF5;
	p2 =	por !p2, p0  }
0x20: {  	[sflag:s8] =	ssyncset.s32 @!p0 $0xFFFFF086;
	s6 =	sadd.s32 @!p0 s3, s7;
	s7 =	simm.s32 @!p0 $0x108  }
0x21: {  	s3 =	sadd.s32 s3, s9;
	s6 =	sadd.s32 @!p0 $0x88, s6;
	s7 =	simm.s32 @p2 $0x1082  }
0x22: {  	[simem:s7], [sflag:s8] =	dma.local @!p0 [hbm:s6], $0xF7A  }
0x23: {  	s9 =	sor.u32 $0xD0000000, s2;
	s6 =	simm.s32 $0x108;
	_ =	swait.ge @!p0 [sflag:s8], $0x0  }
0x24: {  	s3 =	sadd.s32 $0x88, s3;
	s6 =	simm.s32 @!p1 $0x1082;
	[sflag:s4] =	ssyncset.s32 $0xFFFFF086  }
0x25: {  	[simem:s6], [sflag:s4] =	dma.local [hbm:s3], $0xF7A  }
0x26: {  	[smem:$0x3F97] =	sst s1;
	(tag) =	ssettag s2;
	_ =	strace s9  }
0x27: {  	s1 =	sld [smem:$0x3FA7]  }
0x28: {  	s2 =	sld [smem:$0x3FA8]  }
0x29: {  	s4 =	sld [smem:$0x3FAA]  }
0x2a: {  	p0 =	seq.s32 s5, $0x0;
	s5 =	sld [smem:$0x3FAB]  }
0x2b: {  	s6 =	sld [smem:$0x3FAC]  }
0x2c: {  	s7 =	sld [smem:$0x3FAD]  }
0x2d: {  	s3 =	simm.s32 $0x108;
	s8 =	sld [smem:$0x3FAE]  }
0x2e: {  	s3 =	simm.s32 @!p0 $0x1082;
	s9 =	sld [smem:$0x3FAF]  }
0x2f: {  	lr =	sadd.s32 s0, s3;
	s0 =	sld [smem:$0x3FA6]  }
0x30: {  	s3 =	sld [smem:$0x3FA9]  }
0x31: {  	[smem:$0x3FB2] =	sst s10  }
0x32: {  	s10 =	sld [smem:$0x3FB0];
	_ =	sdelay $0x3  }
0x33: {  	p0 =	seq.s32 s10, $0x1;
	s10 =	sld [smem:$0x3FB2];
	_ =	sdelay $0x3  }
0x34: {  	[smem:$0x3FB2] =	sst s10  }
0x35: {  	s10 =	sld [smem:$0x3FB1];
	_ =	sdelay $0x3  }
0x36: {  	p1 =	seq.s32 s10, $0x1;
	s10 =	sld [smem:$0x3FB2];
	_ =	sdelay $0x3  }
0x37: {  	[smem:$0x3FB2] =	sst s10  }
0x38: {  	s10 =	sld [smem:$0x3FB3]  }
0x39: {  	_ = 	snop;
	(pc) =	sbr.ind lr, $3  }
0x3a: {  	_ = 	snop  }
0x3b: {  	_ = 	snop  }
0x3c: {  	p2 =	seq.s32 s10, $0x1;
	s10 =	sld [smem:$0x3FB2]  }
0x3d: {  	_ =	shalt  }
0x3e: {  	_ =	shalt  }
0x3f: {  	_ =	shalt  }
0x40: {  	_ =	shalt  }
0x41: {  	_ =	shalt  }
0x42: {  	_ =	shalt  }
0x43: {  	_ =	shalt  }
0x44: {  	_ =	shalt  }
0x45: {  	_ =	shalt  }
0x46: {  	_ =	shalt  }
0x47: {  	_ =	shalt  }
0x48: {  	_ =	shalt  }
0x49: {  	_ =	shalt  }
0x4a: {  	_ =	shalt  }
0x4b: {  	_ =	shalt  }
0x4c: {  	_ =	shalt  }
0x4d: {  	_ =	shalt  }
0x4e: {  	_ =	shalt  }
0x4f: {  	_ =	shalt  }
0x50: {  	_ =	shalt  }
0x51: {  	_ =	shalt  }
0x52: {  	_ =	shalt  }
0x53: {  	_ =	shalt  }
0x54: {  	_ =	shalt  }
0x55: {  	_ =	shalt  }
0x56: {  	_ =	shalt  }
0x57: {  	_ =	shalt  }
0x58: {  	_ =	shalt  }
0x59: {  	_ =	shalt  }
0x5a: {  	_ =	shalt  }
0x5b: {  	_ =	shalt  }
0x5c: {  	_ =	shalt  }
0x5d: {  	_ =	shalt  }
0x5e: {  	_ =	shalt  }
0x5f: {  	_ =	shalt  }
0x60: {  	_ =	shalt  }
0x61: {  	_ =	shalt  }
0x62: {  	_ =	shalt  }
0x63: {  	_ =	shalt  }
0x64: {  	_ =	shalt  }
0x65: {  	_ =	shalt  }
0x66: {  	_ =	shalt  }
0x67: {  	_ =	shalt  }
0x68: {  	_ =	shalt  }
0x69: {  	_ =	shalt  }
0x6a: {  	_ =	shalt  }
0x6b: {  	_ =	shalt  }
0x6c: {  	_ =	shalt  }
0x6d: {  	_ =	shalt  }
0x6e: {  	_ =	shalt  }
0x6f: {  	_ =	shalt  }
0x70: {  	_ =	shalt  }
0x71: {  	_ =	shalt  }
0x72: {  	_ =	shalt  }
0x73: {  	_ =	shalt  }
0x74: {  	_ =	shalt  }
0x75: {  	_ =	shalt  }
0x76: {  	_ =	shalt  }
0x77: {  	_ =	shalt  }
0x78: {  	_ =	shalt  }
0x79: {  	_ =	shalt  }
0x7a: {  	_ =	shalt  }
0x7b: {  	_ =	shalt  }
0x7c: {  	_ =	shalt  }
0x7d: {  	_ =	shalt  }
0x7e: {  	_ =	shalt  }
0x7f: {  	_ =	shalt  }
0x80: {  	_ =	shalt  }
0x81: {  	_ =	shalt  }
0x82: {  	_ =	shalt  }
0x83: {  	_ =	shalt  }
0x84: {  	_ =	shalt  }
0x85: {  	_ =	shalt  }
0x86: {  	_ =	shalt  }
0x87: {  	_ =	shalt  }
.Lfunc_end0:
.L_simem_size_0:
called_computation_lowered:
.L_overlay_start_0:
0x88: {  	s2 =	sld [smem:$0x3FD9]  }
0x89: {  	s3 =	sld [smem:$0x3FFE];
	_ =	sdelay $0x1  }
0x8a: {  	s1 =	srdreg.scid  }
0x8b: {  	s0 =	sand.u32 $0x1, s1  }
0x8c: {  	s17 =	sshll.u32 s0, $0xA;
	s2 =	sadd.s32 s3, s2  }
0x8d: {  	s2 =	sadd.s32 s2, s17  }
0x8e: {  	[smem:$0x3FBE] =	sst s2  }
0x8f: {  	_ = 	snop  }
0x90: {  	s2 =	sld [smem:$0x3FC9];
	(tm) =	ssettm $0x1  }
0x91: {  	s18 =	sld [smem:$0x3FFB];
	_ =	sdelay $0x3  }
0x92: {  	_ =	strace s18  }
0x93: {  	s3 =	sld [smem:$0x3FFC];
	_ =	sdelay $0x3  }
0x94: {  	_ =	strace s3  }
0x95: {  	s3 =	sld [smem:$0x3FFD];
	_ =	sdelay $0x3  }
0x96: {  	_ =	strace s3  }
0x97: {  	_ =	strace $0x8FFFFFFF  }
0x98: {  	s19 =	sld [smem:$0x3FDB];
	_ =	sdelay $0x1  }
0x99: {  	s4 =	simm.s32 $_scs_section_size  }
0x9a: {  	s5 =	simm.s32 $_size__tile_overlayer_lowered;
	s6 =	simm.s32 $_tile_overlayer_lowered  }
0x9b: {  	s22 =	simm.s32 $0x1BFF;
	s21 =	sshll.u32 s6, $0x1;
	s3 =	sadd.s32 s4, s19  }
0x9c: {  	s7 =	simm.s32 $0x0;
	s20 =	sshll.u32 s5, $0x1;
	s5 =	sadd.s32 s21, s3  }
0x9d: {  	[timem:s7], [sflag:s22] =	dma.local [hbm:s5], s20  }
0x9e: {  	_ =	swait.ge [sflag:s22], s20  }
0x9f: {  	s4 =	ssub.s32 $0x0, s20;
	[sflag:s22] =	ssyncset.done $0x0  }
0xa0: {  	[sflag:s22] =	ssyncadd.s32 s4;
	_ =	sdelay $0x1  }
0xa1: {  	s23 =	simm.s32 $0x1B8B  }
0xa2: {  	_ =	swait.ge [sflag:s23], $0x1  }
0xa3: {  	[sflag:s23] =	ssyncset.done $0x0  }
0xa4: {  	s25 =	simm.s32 $0x1B8E;
	s24 =	sld [smem:$0x3FFE];
	[sflag:s23] =	ssyncadd.s32 $0xFFFFFFFF  }
0xa5: {  	s26 =	simm.s32 $execute0_lowered;
	[smem:$0x3FD2] =	sst s25  }
0xa6: {  	s5 =	sshll.u32 s26, $0x1;
	_ =	strace $0x80000046;
	[dreg:$0x1] =	wrdreg $0xFFFFFFFF  }
0xa7: {  	s28 =	simm.s32 $_size_execute0_lowered;
	s3 =	sadd.s32 s3, s5;
	[dreg:$0x0] =	wrdreg $0x0  }
0xa8: {  	s5 =	sshll.u32 s28, $0x1;
	[dreg:$0x2] =	wrdreg s3  }
0xa9: {  	[dreg:$0x3] =	wrdreg s5  }
0xaa: {  	[dreg:$0x4] =	wrdreg $0xC0  }
0xab: {  	_ =	task [dreg:s7], $0x5FFFF  }
0xac: {  	[dreg:$0x1] =	wrdreg $0xFFFFFFFF  }
0xad: {  	[dreg:$0x0] =	wrdreg $0x60  }
0xae: {  	[dreg:$0x2] =	wrdreg s2  }
0xaf: {  	[dreg:$0x3] =	wrdreg s24  }
0xb0: {  	[dreg:$0x4] =	wrdreg $0x9  }
0xb1: {  	_ =	task.clear_ibuf [dreg:s7], $0x5FFFF;
	_ =	strace $0x90000046  }
0xb2: {  	s29 =	simm.s32 $0x9;
	_ =	strace $0x80000048  }
0xb3: {  	_ =	swait.ge [sflag:s29], $0x1  }
0xb4: {  	[sflag:s29] =	ssyncadd.s32 $0xFFFFFFFF  }
0xb5: {  	_ =	strace $0x90000048  }
0xb6: {  	_ =	sfence  }
0xb7: {  	s30 =	sld [smem:$0x0];
	_ =	sdelay $0x2  }
0xb8: {  	s31 =	sshll.u32 s1, $0xD;
	s1 =	sshrl.u32 s1, $0x2  }
0xb9: {  	s3 =	sand.u32 $0x4000, s31;
	s1 =	sadd.s32 s1, s30  }
0xba: {  	s0 =	sor.u32 s3, s0;
	s1 =	sshll.u32 s1, $0x11  }
0xbb: {  	s0 =	sor.u32 s1, s0  }
0xbc: {  	s0 =	sadd.s32 $0x8F2B, s0  }
0xbd: {  	[sflag:s0] =	ssyncadd.remote.s32 $0x1  }
0xbe: {  	_ =	sfence.sel $0xFFFF  }
0xbf: {  	[dreg:$0x0] =	wrdreg $0xFFFFFFFF;
	(pc) =	sbr.abs _section_cstart, $3  }
0xc0: {  	[dreg:$0x1] =	wrdreg $0xFFFFFFFF  }
0xc1: {  	_ =	task.clear_ibuf [dreg:s7], $0x2FFFF;
	_ =	strace $0x9FFFFFFF  }
0xc2: {  	(tm) =	ssettm $0x7FFFFFFF  }
0xc3: {  	_ =	shalt  }
tec
execute0_lowered:
.L_overlay_start_1:
0x0: {  	(tag) =	ssettag $0x1  }
0x1: {  	s3 =	rddreg [dreg:$0x0];
	s1 =	srdreg.scid  }
0x2: {  	s0 =	stileid.u32;
	s5 =	rddreg [dreg:$0x1];
	s2 =	simm.s32 $0x0  }
0x3: {  	s6 =	sand.u32 $0x1, s1;
	s4 =	sshll.u32 s0, $0x1;
	s1 =	rddreg [dreg:$0x2]  }
0x4: {  	[smem:$0x7FF] =	sst s2;
	s7 =	sor.u32 s6, s4;
	s6 =	ssub.s32 $0x2, s6  }
0x5: {  	_ =	strace $0x80000047;
	s4 =	sshll.u32 s7, $0x8;
	s8 =	sshrl.u32 s6, $0x1  }
0x6: {  	s4 =	sadd.s32 s3, s4;
	s3 =	simm.s32 $0x1;
	s6 =	ssub.s32 s6, s8  }
0x7: {  	[tilespmem:s2], [sflag:$0x1] =	stream.linear.gather [hbm4b:s4+s2], $0x800, $0x38;
	[tilespmem:$0x880] =	vst v63  }
0x8: {  	s8 =	smax.u32 s6, $0x1;
	_ =	swait.ge [sflag:s3], $0x800  }
0x9: {  	p0 =	sne.s32 s8, $0x1;
	[sflag:s3] =	ssyncset.done $0x0  }
.Ltmp0:
0xa: {  	v0 =	vimm.s32 $0x10000;
	[sflag:s3] =	ssyncadd.s32 $0xFFFFF800;
	(pc) =	sbr.rel @!p0 .LBB2_2-.Ltmp0, $4  }
0xb: {  	[tilespmem:$0x870] =	vst v0  }
0xc: {  	s7 =	sshll.u32 s7, $0x4;
	[tilespmem:$0x860] =	vst v0  }
0xd: {  	s5 =	sadd.s32 s7, s5;
	[tilespmem:$0x850] =	vst v0  }
0xe: {  	s5 =	sadd.s32 $0x2000, s5;
	s6 =	simm.s32 $0x800;
	s7 =	sadd.s32 $0xFFFFFFFF, s8;
	[tilespmem:$0x840] =	vst v0  }
.LBB2_1:
0xf: {  	p0 =	sne.s32 s7, $0x1;
	s7 =	sadd.s32 $0xFFFFFFFF, s7;
	[tilespmem:$0x830] =	vst v0  }
0x10: {  	[tilespmem:$0x820] =	vst v0  }
0x11: {  	[tilespmem:$0x800] =	vst v0  }
0x12: {  	[tilespmem:$0x810] =	vst v0  }
0x13: {  	[hbm4b:s5+s2] =	stream.linear.scatter [tilespmem:s6], [sflag:$0x1], $0x80, $0x38;
	[tilespmem:$0x880] =	vst v63  }
0x14: {  	_ =	swait.ge [sflag:s3], $0x80  }
0x15: {  	[sflag:s3] =	ssyncset.done $0x0  }
0x16: {  	[sflag:s3] =	ssyncadd.s32 $0xFFFFFF80  }
0x17: {  	[tilespmem:s2], [sflag:$0x1] =	stream.linear.gather [hbm4b:s4+s2], $0x800, $0x38;
	[tilespmem:$0x880] =	vst v63  }
0x18: {  	_ =	swait.ge [sflag:s3], $0x800  }
0x19: {  	[sflag:s3] =	ssyncset.done $0x0  }
.Ltmp1:
0x1a: {  	[sflag:s3] =	ssyncadd.s32 $0xFFFFF800;
	(pc) =	sbr.rel @p0 .LBB2_1-.Ltmp1, $4  }
0x1b: {  	[tilespmem:$0x870] =	vst v0  }
0x1c: {  	[tilespmem:$0x860] =	vst v0  }
0x1d: {  	[tilespmem:$0x850] =	vst v0  }
0x1e: {  	[tilespmem:$0x840] =	vst v0  }
.LBB2_2:
0x1f: {  	[tilespmem:$0x830] =	vst v0  }
0x20: {  	[tilespmem:$0x820] =	vst v0  }
0x21: {  	[tilespmem:$0x800] =	vst v0  }
0x22: {  	[tilespmem:$0x810] =	vst v0  }
0x23: {  	[hbm4b:s5+s2] =	stream.linear.scatter [tilespmem:s6], [sflag:$0x1], $0x80, $0x38;
	[tilespmem:$0x880] =	vst v63  }
0x24: {  	_ =	swait.ge [sflag:s3], $0x80  }
0x25: {  	[sflag:s3] =	ssyncset.done $0x0  }
0x26: {  	[sflag:s3] =	ssyncadd.s32 $0xFFFFFF80  }
0x27: {  	_ =	sfence.sel $0x180000  }
0x28: {  	[bflag:$0x0] =	sbarrier.arrive $0xFFFF  }
0x29: {  	p0 =	sne.s32 s0, $0x0;
	_ =	strace $0x90000047  }
0x2a: {  	s0 =	sadd.s32 @!p0 $0x100000, s1;
	[bflag:$0x2] =	sbarrier.arrive $0xFFFF  }
0x2b: {  	[sflag:s0] =	ssyncadd.tile.s32 @!p0 $0x1;
	_ =	shalt  }
.Lfunc_end2:
_tile_overlayer_lowered:
.L_overlay_start_2:
0x2c: {  	(tag) =	ssettag $0x2  }
0x2d: {  	s0 =	rddreg [dreg:$0x0];
	s2 =	stileid.u32  }
0x2e: {  	s1 =	rddreg [dreg:$0x1];
	p0 =	sne.s32 s2, $0x0  }
0x2f: {  	s3 =	rddreg [dreg:$0x2];
	[bflag:$0x3] =	sbarrier.arrive $0xFFFF;
	s2 =	simm.s32 @!p0 $0x1C01  }
0x30: {  	[timem:s3], [sflag:s2] =	dma.local @!p0 [hbm:s0], s1  }
0x31: {  	s0 =	simm.s32 @!p0 $0x1  }
0x32: {  	_ =	swait.ge @!p0 [sflag:s0], s1  }
0x33: {  	s1 =	ssub.s32 @!p0 $0x0, s1;
	[sflag:s0] =	ssyncset.done @!p0 $0x0  }
0x34: {  	[sflag:s0] =	ssyncadd.s32 @!p0 s1  }
0x35: {  	[bflag:$0x3] =	sbarrier.arrive $0xFFFF  }
0x36: {  	_ =	shalt  }

// kernel: kernel.9.cloned.1.call-start
scs
__scs_entry_jumppad:
0x0: {  	(pc) =	sbr.rel $0x88, $3  }
0x1: {  	(tag) =	ssettag $0x0;
	lr =	simm.s32 $0x1  }
0x2: {  	[smem:$0x3F97] =	sst lr;
	_ =	strace $0xD0000000  }
0x3: {  	_ = 	snop  }
0x4: {  	_ = 	snop  }
0x5: {  	_ = 	snop  }
0x6: {  	_ = 	snop  }
0x7: {  	_ = 	snop  }
__scs_overlays_trampoline_lowered:
0x8: {  	[smem:$0x3FA6] =	sst s0  }
0x9: {  	[smem:$0x3FA7] =	sst s1  }
0xa: {  	[smem:$0x3FA8] =	sst s2  }
0xb: {  	[smem:$0x3FA9] =	sst s3  }
0xc: {  	[smem:$0x3FAA] =	sst s4  }
0xd: {  	[smem:$0x3FAB] =	sst s5  }
0xe: {  	[smem:$0x3FAC] =	sst s6  }
0xf: {  	[smem:$0x3FAD] =	sst s7  }
0x10: {  	[smem:$0x3FAE] =	sst s8  }
0x11: {  	[smem:$0x3FAF] =	sst s9;
	s0 =	simm.s32 @!p0 $0x0  }
0x12: {  	s1 =	sld [smem:$0x3F95];
	s0 =	simm.s32 @p0 $0x1  }
0x13: {  	[smem:$0x3FB0] =	sst s0;
	s0 =	simm.s32 @!p1 $0x0  }
0x14: {  	s2 =	sld [smem:$0x3F94];
	s0 =	simm.s32 @p1 $0x1  }
0x15: {  	[smem:$0x3FB1] =	sst s0;
	s0 =	simm.s32 @!p2 $0x0  }
0x16: {  	s3 =	sld [smem:$0x3FDB];
	s0 =	simm.s32 @p2 $0x1  }
0x17: {  	s4 =	simm.s32 $0x1BF5;
	[smem:$0x3FB3] =	sst s0  }
0x18: {  	s0 =	sld [smem:$0x3F96];
	_ =	swait.ge [sflag:s4], $0x0  }
0x19: {  	s7 =	sld [smem:$0x3F97]  }
0x1a: {  	s8 =	sadd.s32 $0xFFFFE003, lr  }
0x1b: {  	s9 =	sadd.s32 $0xFFFFFEF7, lr;
	s5 =	simm.s32 $0xFFFFFFFF;
	p2 =	slt.u32 s8, $0xFFFFF086  }
0x1c: {  	p1 =	slt.u32 s9, $0xF7A;
	s5 =	simm.s32 @!p2 $0x0  }
0x1d: {  	s5 =	simm.s32 @p1 $0x1;
	p0 =	seq.s32 s7, s2  }
0x1e: {  	s7 =	smul.u32 @!p0 $0xF7A, s2;
	p2 =	seq.s32 @!p0 s5, $0x0  }
0x1f: {  	s9 =	smul.u32 $0xF7A, s1;
	s8 =	simm.s32 @!p0 $0x1BF5;
	p2 =	por !p2, p0  }
0x20: {  	[sflag:s8] =	ssyncset.s32 @!p0 $0xFFFFF086;
	s6 =	sadd.s32 @!p0 s3, s7;
	s7 =	simm.s32 @!p0 $0x108  }
0x21: {  	s3 =	sadd.s32 s3, s9;
	s6 =	sadd.s32 @!p0 $0x88, s6;
	s7 =	simm.s32 @p2 $0x1082  }
0x22: {  	[simem:s7], [sflag:s8] =	dma.local @!p0 [hbm:s6], $0xF7A  }
0x23: {  	s9 =	sor.u32 $0xD0000000, s2;
	s6 =	simm.s32 $0x108;
	_ =	swait.ge @!p0 [sflag:s8], $0x0  }
0x24: {  	s3 =	sadd.s32 $0x88, s3;
	s6 =	simm.s32 @!p1 $0x1082;
	[sflag:s4] =	ssyncset.s32 $0xFFFFF086  }
0x25: {  	[simem:s6], [sflag:s4] =	dma.local [hbm:s3], $0xF7A  }
0x26: {  	[smem:$0x3F97] =	sst s1;
	(tag) =	ssettag s2;
	_ =	strace s9  }
0x27: {  	s1 =	sld [smem:$0x3FA7]  }
0x28: {  	s2 =	sld [smem:$0x3FA8]  }
0x29: {  	s4 =	sld [smem:$0x3FAA]  }
0x2a: {  	p0 =	seq.s32 s5, $0x0;
	s5 =	sld [smem:$0x3FAB]  }
0x2b: {  	s6 =	sld [smem:$0x3FAC]  }
0x2c: {  	s7 =	sld [smem:$0x3FAD]  }
0x2d: {  	s3 =	simm.s32 $0x108;
	s8 =	sld [smem:$0x3FAE]  }
0x2e: {  	s3 =	simm.s32 @!p0 $0x1082;
	s9 =	sld [smem:$0x3FAF]  }
0x2f: {  	lr =	sadd.s32 s0, s3;
	s0 =	sld [smem:$0x3FA6]  }
0x30: {  	s3 =	sld [smem:$0x3FA9]  }
0x31: {  	[smem:$0x3FB2] =	sst s10  }
0x32: {  	s10 =	sld [smem:$0x3FB0];
	_ =	sdelay $0x3  }
0x33: {  	p0 =	seq.s32 s10, $0x1;
	s10 =	sld [smem:$0x3FB2];
	_ =	sdelay $0x3  }
0x34: {  	[smem:$0x3FB2] =	sst s10  }
0x35: {  	s10 =	sld [smem:$0x3FB1];
	_ =	sdelay $0x3  }
0x36: {  	p1 =	seq.s32 s10, $0x1;
	s10 =	sld [smem:$0x3FB2];
	_ =	sdelay $0x3  }
0x37: {  	[smem:$0x3FB2] =	sst s10  }
0x38: {  	s10 =	sld [smem:$0x3FB3]  }
0x39: {  	_ = 	snop;
	(pc) =	sbr.ind lr, $3  }
0x3a: {  	_ = 	snop  }
0x3b: {  	_ = 	snop  }
0x3c: {  	p2 =	seq.s32 s10, $0x1;
	s10 =	sld [smem:$0x3FB2]  }
0x3d: {  	_ =	shalt  }
0x3e: {  	_ =	shalt  }
0x3f: {  	_ =	shalt  }
0x40: {  	_ =	shalt  }
0x41: {  	_ =	shalt  }
0x42: {  	_ =	shalt  }
0x43: {  	_ =	shalt  }
0x44: {  	_ =	shalt  }
0x45: {  	_ =	shalt  }
0x46: {  	_ =	shalt  }
0x47: {  	_ =	shalt  }
0x48: {  	_ =	shalt  }
0x49: {  	_ =	shalt  }
0x4a: {  	_ =	shalt  }
0x4b: {  	_ =	shalt  }
0x4c: {  	_ =	shalt  }
0x4d: {  	_ =	shalt  }
0x4e: {  	_ =	shalt  }
0x4f: {  	_ =	shalt  }
0x50: {  	_ =	shalt  }
0x51: {  	_ =	shalt  }
0x52: {  	_ =	shalt  }
0x53: {  	_ =	shalt  }
0x54: {  	_ =	shalt  }
0x55: {  	_ =	shalt  }
0x56: {  	_ =	shalt  }
0x57: {  	_ =	shalt  }
0x58: {  	_ =	shalt  }
0x59: {  	_ =	shalt  }
0x5a: {  	_ =	shalt  }
0x5b: {  	_ =	shalt  }
0x5c: {  	_ =	shalt  }
0x5d: {  	_ =	shalt  }
0x5e: {  	_ =	shalt  }
0x5f: {  	_ =	shalt  }
0x60: {  	_ =	shalt  }
0x61: {  	_ =	shalt  }
0x62: {  	_ =	shalt  }
0x63: {  	_ =	shalt  }
0x64: {  	_ =	shalt  }
0x65: {  	_ =	shalt  }
0x66: {  	_ =	shalt  }
0x67: {  	_ =	shalt  }
0x68: {  	_ =	shalt  }
0x69: {  	_ =	shalt  }
0x6a: {  	_ =	shalt  }
0x6b: {  	_ =	shalt  }
0x6c: {  	_ =	shalt  }
0x6d: {  	_ =	shalt  }
0x6e: {  	_ =	shalt  }
0x6f: {  	_ =	shalt  }
0x70: {  	_ =	shalt  }
0x71: {  	_ =	shalt  }
0x72: {  	_ =	shalt  }
0x73: {  	_ =	shalt  }
0x74: {  	_ =	shalt  }
0x75: {  	_ =	shalt  }
0x76: {  	_ =	shalt  }
0x77: {  	_ =	shalt  }
0x78: {  	_ =	shalt  }
0x79: {  	_ =	shalt  }
0x7a: {  	_ =	shalt  }
0x7b: {  	_ =	shalt  }
0x7c: {  	_ =	shalt  }
0x7d: {  	_ =	shalt  }
0x7e: {  	_ =	shalt  }
0x7f: {  	_ =	shalt  }
0x80: {  	_ =	shalt  }
0x81: {  	_ =	shalt  }
0x82: {  	_ =	shalt  }
0x83: {  	_ =	shalt  }
0x84: {  	_ =	shalt  }
0x85: {  	_ =	shalt  }
0x86: {  	_ =	shalt  }
0x87: {  	_ =	shalt  }
.Lfunc_end0:
.L_simem_size_0:
called_computation.1_lowered:
.L_overlay_start_0:
0x88: {  	s2 =	sld [smem:$0x3FD9]  }
0x89: {  	s3 =	sld [smem:$0x3FFE];
	_ =	sdelay $0x1  }
0x8a: {  	s1 =	srdreg.scid  }
0x8b: {  	s0 =	sand.u32 $0x1, s1  }
0x8c: {  	s16 =	sshll.u32 s0, $0xA;
	s2 =	sadd.s32 s3, s2  }
0x8d: {  	s2 =	sadd.s32 s2, s16  }
0x8e: {  	[smem:$0x3FBE] =	sst s2  }
0x8f: {  	_ = 	snop  }
0x90: {  	(tm) =	ssettm $0x1  }
0x91: {  	s17 =	sld [smem:$0x3FFB];
	_ =	sdelay $0x3  }
0x92: {  	_ =	strace s17  }
0x93: {  	s2 =	sld [smem:$0x3FFC];
	_ =	sdelay $0x3  }
0x94: {  	_ =	strace s2  }
0x95: {  	s2 =	sld [smem:$0x3FFD];
	_ =	sdelay $0x3  }
0x96: {  	_ =	strace s2  }
0x97: {  	_ =	strace $0x8FFFFFFF  }
0x98: {  	s18 =	sld [smem:$0x3FDB];
	_ =	sdelay $0x1  }
0x99: {  	s19 =	simm.s32 $_scs_section_size  }
0x9a: {  	s4 =	simm.s32 $_size__tile_overlayer_lowered;
	s5 =	simm.s32 $_tile_overlayer_lowered  }
0x9b: {  	s22 =	simm.s32 $0x1BFF;
	s21 =	sshll.u32 s5, $0x1;
	s2 =	sadd.s32 s19, s18  }
0x9c: {  	s6 =	simm.s32 $0x0;
	s20 =	sshll.u32 s4, $0x1;
	s4 =	sadd.s32 s21, s2  }
0x9d: {  	[timem:s6], [sflag:s22] =	dma.local [hbm:s4], s20  }
0x9e: {  	_ =	swait.ge [sflag:s22], s20  }
0x9f: {  	s3 =	ssub.s32 $0x0, s20;
	[sflag:s22] =	ssyncset.done $0x0  }
0xa0: {  	[sflag:s22] =	ssyncadd.s32 s3;
	_ =	sdelay $0x1  }
0xa1: {  	s23 =	simm.s32 $0x1B8B  }
0xa2: {  	_ =	swait.ge [sflag:s23], $0x1  }
0xa3: {  	[sflag:s23] =	ssyncset.done $0x0  }
0xa4: {  	s25 =	simm.s32 $0x1B8E;
	s24 =	sld [smem:$0x3FFE];
	[sflag:s23] =	ssyncadd.s32 $0xFFFFFFFF  }
0xa5: {  	s26 =	simm.s32 $execute0_lowered;
	[smem:$0x3FD2] =	sst s25  }
0xa6: {  	s4 =	sshll.u32 s26, $0x1;
	_ =	strace $0x80000049;
	[dreg:$0x1] =	wrdreg $0xFFFFFFFF  }
0xa7: {  	s28 =	simm.s32 $_size_execute0_lowered;
	s2 =	sadd.s32 s2, s4;
	[dreg:$0x0] =	wrdreg $0x0  }
0xa8: {  	s4 =	sshll.u32 s28, $0x1;
	[dreg:$0x2] =	wrdreg s2  }
0xa9: {  	[dreg:$0x3] =	wrdreg s4  }
0xaa: {  	[dreg:$0x4] =	wrdreg $0xC0  }
0xab: {  	_ =	task [dreg:s6], $0x5FFFF  }
0xac: {  	[dreg:$0x1] =	wrdreg $0xFFFFFFFF  }
0xad: {  	[dreg:$0x0] =	wrdreg $0x60  }
0xae: {  	[dreg:$0x2] =	wrdreg s24  }
0xaf: {  	[dreg:$0x3] =	wrdreg $0x9  }
0xb0: {  	_ =	task.clear_ibuf [dreg:s6], $0x4FFFF;
	_ =	strace $0x90000049  }
0xb1: {  	s29 =	simm.s32 $0x9;
	_ =	strace $0x8000004B  }
0xb2: {  	_ =	swait.ge [sflag:s29], $0x1  }
0xb3: {  	[sflag:s29] =	ssyncadd.s32 $0xFFFFFFFF  }
0xb4: {  	_ =	strace $0x9000004B  }
0xb5: {  	_ =	sfence  }
0xb6: {  	s30 =	sld [smem:$0x0];
	_ =	sdelay $0x2  }
0xb7: {  	s31 =	sshll.u32 s1, $0xD;
	s1 =	sshrl.u32 s1, $0x2  }
0xb8: {  	s3 =	sand.u32 $0x4000, s31;
	s1 =	sadd.s32 s1, s30  }
0xb9: {  	s0 =	sor.u32 s3, s0;
	s1 =	sshll.u32 s1, $0x11  }
0xba: {  	s0 =	sor.u32 s1, s0  }
0xbb: {  	s0 =	sadd.s32 $0x8F2B, s0  }
0xbc: {  	[sflag:s0] =	ssyncadd.remote.s32 $0x1  }
0xbd: {  	_ =	sfence.sel $0xFFFF  }
0xbe: {  	[dreg:$0x0] =	wrdreg $0xFFFFFFFF;
	(pc) =	sbr.abs _section_cstart, $3  }
0xbf: {  	[dreg:$0x1] =	wrdreg $0xFFFFFFFF  }
0xc0: {  	_ =	task.clear_ibuf [dreg:s6], $0x2FFFF;
	_ =	strace $0x9FFFFFFF  }
0xc1: {  	(tm) =	ssettm $0x7FFFFFFF  }
tec
execute0_lowered:
.L_overlay_start_1:
0x0: {  	(tag) =	ssettag $0x1  }
0x1: {  	s1 =	srdreg.scid  }
0x2: {  	s4 =	sand.u32 $0x1, s1  }
0x3: {  	s5 =	sshll.u32 s4, $0x4;
	s4 =	ssub.s32 $0x2, s4  }
0x4: {  	s3 =	rddreg [dreg:$0x0];
	s31 =	sshrl.u32 s4, $0x1  }
0x5: {  	s0 =	rddreg [dreg:$0x1];
	s4 =	ssub.s32 s4, s31  }
0x6: {  	s1 =	stileid.u32;
	s3 =	sadd.s32 s5, s3;
	s5 =	smax.u32 s4, $0x1  }
0x7: {  	s2 =	simm.s32 $0x0;
	s6 =	sshll.u32 s1, $0x5;
	p0 =	sne.s32 s5, $0x1  }
.Ltmp0:
0x8: {  	[smem:$0x7FF] =	sst s2;
	s3 =	sadd.s32 s6, s3;
	(pc) =	sbr.rel @!p0 .LBB2_2-.Ltmp0, $4  }
0x9: {  	_ =	strace $0x8000004A;
	s3 =	sadd.s32 $0x2000, s3;
	s4 =	simm.s32 $0x1  }
0xa: {  	[tilespmem:s2], [sflag:$0x1] =	stream.linear.gather [hbm4b:s3+s2], $0x80, $0x38;
	[tilespmem:$0x80] =	vst v63  }
0xb: {  	_ =	swait.ge [sflag:s4], $0x80  }
0xc: {  	s5 =	sadd.s32 $0xFFFFFFFF, s5;
	[sflag:s4] =	ssyncset.done $0x0  }
.LBB2_1:
0xd: {  	p0 =	sne.s32 s5, $0x1;
	s5 =	sadd.s32 $0xFFFFFFFF, s5;
	[sflag:s4] =	ssyncadd.s32 $0xFFFFFF80  }
.Ltmp1:
0xe: {  	(pc) =	sbr.rel @p0 .LBB2_1-.Ltmp1, $4  }
0xf: {  	_ = 	snop  }
0x10: {  	[tilespmem:s2], [sflag:$0x1] =	stream.linear.gather [hbm4b:s3+s2], $0x80, $0x38;
	[tilespmem:$0x80] =	vst v63  }
0x11: {  	_ =	swait.ge [sflag:s4], $0x80  }
0x12: {  	[sflag:s4] =	ssyncset.done $0x0  }
.LBB2_2:
0x13: {  	[sflag:s4] =	ssyncadd.s32 $0xFFFFFF80  }
0x14: {  	_ =	sfence.sel $0x180000  }
0x15: {  	[bflag:$0x0] =	sbarrier.arrive $0xFFFF  }
0x16: {  	p0 =	sne.s32 s1, $0x0;
	_ =	strace $0x9000004A  }
0x17: {  	s0 =	sadd.s32 @!p0 $0x100000, s0;
	[bflag:$0x2] =	sbarrier.arrive $0xFFFF  }
0x18: {  	[sflag:s0] =	ssyncadd.tile.s32 @!p0 $0x1;
	_ =	shalt  }
.Lfunc_end2:
_tile_overlayer_lowered:
.L_overlay_start_2:
0x19: {  	(tag) =	ssettag $0x2  }
0x1a: {  	s0 =	rddreg [dreg:$0x0];
	s2 =	stileid.u32  }
0x1b: {  	s1 =	rddreg [dreg:$0x1];
	p0 =	sne.s32 s2, $0x0  }
0x1c: {  	s3 =	rddreg [dreg:$0x2];
	[bflag:$0x3] =	sbarrier.arrive $0xFFFF;
	s2 =	simm.s32 @!p0 $0x1C01  }
0x1d: {  	[timem:s3], [sflag:s2] =	dma.local @!p0 [hbm:s0], s1  }
0x1e: {  	s0 =	simm.s32 @!p0 $0x1  }
0x1f: {  	_ =	swait.ge @!p0 [sflag:s0], s1  }
0x20: {  	s1 =	ssub.s32 @!p0 $0x0, s1;
	[sflag:s0] =	ssyncset.done @!p0 $0x0  }
0x21: {  	[sflag:s0] =	ssyncadd.s32 @!p0 s1  }
0x22: {  	[bflag:$0x3] =	sbarrier.arrive $0xFFFF  }
0x23: {  	_ =	shalt  }

</sc_bundles>
